<compile_context>
chip_gen: v7x
topology: tpu7x:2x2x1
jax: 0.10.2.dev20260603
libtpu: 0.0.44.dev20260713+nightly
codegen_flags: <defaults>
</compile_context>

<pallas_src>
import functools

import jax
import jax.numpy as jnp
from jax import lax
from jax.experimental import pallas as pl
from jax.experimental.pallas import tpu as pltpu
from jax.experimental.pallas import tpu_sc as plsc

N = 100000
D = 128
H = 128
B = 512
EPS = 1e-5

R = 4000
NBLK = N // R

_NC = 2
_NS = 16
_NW = _NC * _NS
_BPW = B // _NW


def _gather_last_rows(feat, last_nodes):
    mesh = plsc.VectorSubcoreMesh(core_axis_name="c", subcore_axis_name="s")

    @functools.partial(
        pl.kernel,
        mesh=mesh,
        out_type=jax.ShapeDtypeStruct((B, D), jnp.float32),
        scratch_types=[
            pltpu.VMEM((_BPW,), jnp.int32),
            pltpu.VMEM((_BPW, D), jnp.float32),
            pltpu.SemaphoreType.DMA,
        ],
    )
    def k(table_hbm, idx_hbm, out_hbm, idx_v, rows_v, sem):
        wid = lax.axis_index("s") * _NC + lax.axis_index("c")
        base = wid * _BPW
        pltpu.sync_copy(idx_hbm.at[pl.ds(base, _BPW)], idx_v)
        pltpu.async_copy(table_hbm.at[idx_v], rows_v, sem).wait()
        pltpu.sync_copy(rows_v, out_hbm.at[pl.ds(base, _BPW)])

    return k(feat, last_nodes)


def _stats_body(x_ref, out_ref):
    i = pl.program_id(0)

    @pl.when(i == 0)
    def _():
        out_ref[...] = jnp.zeros_like(out_ref)

    x = x_ref[...]
    out_ref[0:1, :] = out_ref[0:1, :] + jnp.sum(x, axis=0, keepdims=True)
    out_ref[1:2, :] = out_ref[1:2, :] + jnp.sum(x * x, axis=0, keepdims=True)


_RS = 20000
_NBS = N // _RS


def _col_stats(feat):
    return pl.pallas_call(
        _stats_body,
        grid=(_NBS,),
        in_specs=[pl.BlockSpec((_RS, D), lambda i: (i, 0))],
        out_specs=pl.BlockSpec((2, D), lambda i: (0, 0)),
        out_shape=jax.ShapeDtypeStruct((2, D), jnp.float32),
    )(feat)


_NT = (((1,), (1,)), ((), ()))
_TN = (((0,), (0,)), ((), ()))


def _main_body(x_ref, seg_ref, stats_ref, gamma_ref, beta_ref,
               wu_ref, gath_ref, wv_ref, bv_ref, we_ref, out_ref,
               d_ref, s_ref, fv_ref):
    i = pl.program_id(0)

    mean = stats_ref[0:1, :] * (1.0 / N)
    var = stats_ref[1:2, :] * (1.0 / N) - mean * mean
    a = gamma_ref[...] * lax.rsqrt(var + EPS)
    b = beta_ref[...] - mean * a

    @pl.when(i == 0)
    def _init():
        d_ref[...] = jnp.zeros((B, 1), jnp.float32)
        s_ref[...] = jnp.zeros((B, D), jnp.float32)
        fv_ref[...] = (
            lax.dot_general(gath_ref[...] * a + b, wv_ref[...], _NT,
                            preferred_element_type=jnp.float32)
            + bv_ref[...]
        )

    f = x_ref[...] * a + b
    u = lax.dot_general(f, wu_ref[...], _NT,
                        preferred_element_type=jnp.float32)

    segr = seg_ref[0]
    ohT = segr == lax.broadcasted_iota(jnp.int32, (B, R), 0)
    ohT32 = ohT.astype(jnp.float32)

    vb = lax.dot_general(ohT32, fv_ref[...], _TN,
                         preferred_element_type=jnp.float32)
    th = jnp.tanh((u + vb) * 0.5)
    e = (
        lax.dot_general(we_ref[...] * 0.5, th, _NT,
                        preferred_element_type=jnp.float32)
        + 0.5 * jnp.sum(we_ref[...])
    )

    C = jnp.sum(jnp.abs(we_ref[...]))
    w = jnp.exp(e - C)
    ohTw = ohT32 * w
    d_ref[...] = d_ref[...] + jnp.sum(ohTw, axis=1, keepdims=True)
    s_ref[...] = s_ref[...] + jnp.dot(ohTw, f,
                                      preferred_element_type=jnp.float32)

    @pl.when(i == NBLK - 1)
    def _fin():
        d_c = d_ref[...]
        out_ref[...] = jnp.where(d_c > 0.0, s_ref[...] / d_c, 0.0)


def _main_pass(feat, seg3d, stats, gamma2, beta2, wu, gathered,
               wv, bv2, we2):
    return pl.pallas_call(
        _main_body,
        grid=(NBLK,),
        in_specs=[
            pl.BlockSpec((R, D), lambda i: (i, 0)),
            pl.BlockSpec((1, 1, R), lambda i: (i, 0, 0)),
            pl.BlockSpec((2, D), lambda i: (0, 0)),
            pl.BlockSpec((1, D), lambda i: (0, 0)),
            pl.BlockSpec((1, D), lambda i: (0, 0)),
            pl.BlockSpec((D, H), lambda i: (0, 0)),
            pl.BlockSpec((B, D), lambda i: (0, 0)),
            pl.BlockSpec((D, H), lambda i: (0, 0)),
            pl.BlockSpec((1, H), lambda i: (0, 0)),
            pl.BlockSpec((1, H), lambda i: (0, 0)),
        ],
        out_specs=pl.BlockSpec((B, D), lambda i: (0, 0)),
        out_shape=jax.ShapeDtypeStruct((B, D), jnp.float32),
        scratch_shapes=[
            pltpu.VMEM((B, 1), jnp.float32),
            pltpu.VMEM((B, D), jnp.float32),
            pltpu.VMEM((B, H), jnp.float32),
        ],
    )(feat, seg3d, stats, gamma2, beta2, wu, gathered, wv, bv2, we2)


def kernel(feat, segment_ids, last_nodes, gamma, beta, W_u, W_v, b_v, W_e):
    gathered = _gather_last_rows(feat, last_nodes)
    stats = _col_stats(feat)

    seg3d = segment_ids.reshape(NBLK, 1, R)
    return _main_pass(
        feat, seg3d, stats,
        gamma.reshape(1, D), beta.reshape(1, D),
        W_u, gathered, W_v, b_v.reshape(1, H), W_e.reshape(1, H),
    )

# --- scband reference (transcript-rebuilt; emitter-appended) ---
"""Pipeline reference for scband-attn-readout-7172595384549 (READ-ONLY COPY).

The authoritative reference and input builder live on the scoring server;
editing this copy changes nothing except your own understanding.
"""

import jax, jax.numpy as jnp
import numpy as np

N = 100000
D = 128
H = 128
B = 512
EPS = 1e-5


def setup_inputs(seed: int = 0) -> dict:
    key = jax.random.key(seed)
    ks = jax.random.split(key, 9)
    feat = jax.random.normal(ks[0], (N, D), dtype=jnp.float32)
    segment_ids = jnp.sort(jax.random.randint(ks[1], (N,), 0, B, dtype=jnp.int32))
    last_nodes = jax.random.randint(ks[2], (B,), 0, N, dtype=jnp.int32)
    # learned parameters
    gamma = jnp.ones((D,), dtype=jnp.float32)   # BatchNorm1d weight
    beta = jnp.zeros((D,), dtype=jnp.float32)   # BatchNorm1d bias
    s = 1.0 / np.sqrt(D)
    W_u = jax.random.normal(ks[3], (H, D), dtype=jnp.float32) * s  # fc_u, no bias
    W_v = jax.random.normal(ks[4], (H, D), dtype=jnp.float32) * s  # fc_v weight
    b_v = jax.random.normal(ks[5], (H,), dtype=jnp.float32) * s    # fc_v bias
    W_e = jax.random.normal(ks[6], (1, H), dtype=jnp.float32) * (1.0 / np.sqrt(H))  # fc_e, no bias
    return {
        "feat": feat,
        "segment_ids": segment_ids,
        "last_nodes": last_nodes,
        "gamma": gamma,
        "beta": beta,
        "W_u": W_u,
        "W_v": W_v,
        "b_v": b_v,
        "W_e": W_e,
    }


def reference(feat, segment_ids, last_nodes, gamma, beta, W_u, W_v, b_v, W_e):
    # BatchNorm1d (training mode: batch statistics, biased variance)
    mean = jnp.mean(feat, axis=0)
    var = jnp.var(feat, axis=0)
    f = (feat - mean) / jnp.sqrt(var + EPS) * gamma + beta
    # feat_drop with p=0.0 is identity
    feat_u = f @ W_u.T                       # [N, H]
    feat_v = f[last_nodes] @ W_v.T + b_v     # [B, H]  (gather of per-graph last node)
    feat_v_b = feat_v[segment_ids]           # broadcast_nodes: [N, H]
    e = jax.nn.sigmoid(feat_u + feat_v_b) @ W_e.T  # [N, 1]
    # segment softmax over nodes within each graph
    e_max = jax.ops.segment_max(e, segment_ids, num_segments=B)
    e_max = jnp.where(jnp.isfinite(e_max), e_max, 0.0)
    e_exp = jnp.exp(e - e_max[segment_ids])
    denom = jax.ops.segment_sum(e_exp, segment_ids, num_segments=B)
    alpha = e_exp / denom[segment_ids]       # [N, 1]
    feat_norm = f * alpha                    # [N, D]
    rst = jax.ops.segment_sum(feat_norm, segment_ids, num_segments=B)  # [B, D]
    # output_dim == input_dim -> fc_out is None; activation is None
    return rst

if __name__ == "__main__":
    import jax
    _d = setup_inputs()
    print(jax.jit(kernel)(*tuple(_d.values())))

</pallas_src>

<mosaic_0001>
#map = affine_map<(d0, d1) -> (0, 0)>
#map1 = affine_map<(d0, d1) -> (0)>
module attributes {stable_mosaic.version = 14 : i64} {
  func.func @k(%arg0: i32, %arg1: i32, %arg2: memref<100000x128xf32, #tpu.memory_space<hbm>>, %arg3: memref<512xi32, #tpu.memory_space<hbm>>, %arg4: memref<512x128xf32, #tpu.memory_space<hbm>>, %arg5: memref<16xi32, #tpu.memory_space<vmem>>, %arg6: memref<16x128xf32, #tpu.memory_space<vmem>>, %arg7: memref<!tpu.dma_semaphore, #tpu.memory_space<semaphore_mem>>) attributes {dimension_semantics = [#tpu.dimension_semantics<core_parallel>, #tpu.dimension_semantics<subcore_parallel>], iteration_bounds = array<i64: 2, 16>, scalar_prefetch = 0 : i64, scratch_operands = 3 : i64, tpu.core_type = #tpu.core_type<sc_vector_subcore>, window_params = [{transform_indices = #map}, {transform_indices = #map1}, {transform_indices = #map}]} {
    %mul3A = arith.constant 2 : i32
    %mul3A_0 = arith.muli %arg1, %mul3A : i32
    %add3A = arith.addi %mul3A_0, %arg0 : i32
    %mul3A_1 = arith.constant 16 : i32
    %mul3A_2 = arith.muli %add3A, %mul3A_1 : i32
    "tpu.region"() ({
      %run_scoped3A = tpu.sem_alloc : memref<!tpu.dma_semaphore, #tpu.memory_space<semaphore_mem>>
      %dma_start3A_7 = tpu.memref_slice %arg3[%mul3A_2] : memref<512xi32, #tpu.memory_space<hbm>> -> memref<16xi32, #tpu.memory_space<hbm>>
      %dma_start3A_8 = tpu.memref_slice %arg3[%mul3A_2] : memref<512xi32, #tpu.memory_space<hbm>> -> memref<16xi32, #tpu.memory_space<hbm>>
      tpu.enqueue_dma source(%dma_start3A_8 : memref<16xi32, #tpu.memory_space<hbm>>) target(%arg5 : memref<16xi32, #tpu.memory_space<vmem>>) target_semaphore(%run_scoped3A : memref<!tpu.dma_semaphore, #tpu.memory_space<semaphore_mem>>)
      %dma_wait3A_9 = tpu.memref_slice %arg3[%mul3A_2] : memref<512xi32, #tpu.memory_space<hbm>> -> memref<16xi32, #tpu.memory_space<hbm>>
      %dma_wait3A_10 = tpu.memref_slice %arg3[%mul3A_2] : memref<512xi32, #tpu.memory_space<hbm>> -> memref<16xi32, #tpu.memory_space<hbm>>
      tpu.wait_dma2 semaphore(%run_scoped3A : memref<!tpu.dma_semaphore, #tpu.memory_space<semaphore_mem>>) src(%dma_wait3A_10 : memref<16xi32, #tpu.memory_space<hbm>>) dst(%arg5 : memref<16xi32, #tpu.memory_space<vmem>>)
      tpu.yield
    }) : () -> ()
    %dma_start3A = arith.constant 0 : i32
    %dma_start3A_3 = arith.constant 0 : i32
    %dma_start3A_4 = tpu.memref_slice %arg2[%dma_start3A, %dma_start3A_3] : memref<100000x128xf32, #tpu.memory_space<hbm>> -> memref<100000x128xf32, #tpu.memory_space<hbm>>
    tpu.enqueue_indirect_dma source(%dma_start3A_4 : memref<100000x128xf32, #tpu.memory_space<hbm>>) target(%arg6 : memref<16x128xf32, #tpu.memory_space<vmem>>) offsets(%arg5 : memref<16xi32, #tpu.memory_space<vmem>>) semaphore(%arg7 : memref<!tpu.dma_semaphore, #tpu.memory_space<semaphore_mem>>)
    %dma_wait3A = arith.constant 0 : i32
    %dma_wait3A_5 = arith.constant 0 : i32
    %dma_wait3A_6 = tpu.memref_slice %arg2[%dma_wait3A, %dma_wait3A_5] : memref<100000x128xf32, #tpu.memory_space<hbm>> -> memref<100000x128xf32, #tpu.memory_space<hbm>>
    tpu.wait_indirect_dma semaphore(%arg7 : memref<!tpu.dma_semaphore, #tpu.memory_space<semaphore_mem>>) src(%dma_wait3A_6 : memref<100000x128xf32, #tpu.memory_space<hbm>>) dst(%arg6 : memref<16x128xf32, #tpu.memory_space<vmem>>)
    "tpu.region"() ({
      %run_scoped3A = tpu.sem_alloc : memref<!tpu.dma_semaphore, #tpu.memory_space<semaphore_mem>>
      %dma_start3A_7 = arith.constant 0 : i32
      %dma_start3A_8 = tpu.memref_slice %arg4[%mul3A_2, %dma_start3A_7] : memref<512x128xf32, #tpu.memory_space<hbm>> -> memref<16x128xf32, #tpu.memory_space<hbm>>
      %dma_start3A_9 = arith.constant 0 : i32
      %dma_start3A_10 = tpu.memref_slice %arg4[%mul3A_2, %dma_start3A_9] : memref<512x128xf32, #tpu.memory_space<hbm>> -> memref<16x128xf32, #tpu.memory_space<hbm>>
      tpu.enqueue_dma source(%arg6 : memref<16x128xf32, #tpu.memory_space<vmem>>) target(%dma_start3A_10 : memref<16x128xf32, #tpu.memory_space<hbm>>) target_semaphore(%run_scoped3A : memref<!tpu.dma_semaphore, #tpu.memory_space<semaphore_mem>>)
      %dma_wait3A_11 = arith.constant 0 : i32
      %dma_wait3A_12 = tpu.memref_slice %arg4[%mul3A_2, %dma_wait3A_11] : memref<512x128xf32, #tpu.memory_space<hbm>> -> memref<16x128xf32, #tpu.memory_space<hbm>>
      %dma_wait3A_13 = arith.constant 0 : i32
      %dma_wait3A_14 = tpu.memref_slice %arg4[%mul3A_2, %dma_wait3A_13] : memref<512x128xf32, #tpu.memory_space<hbm>> -> memref<16x128xf32, #tpu.memory_space<hbm>>
      tpu.wait_dma2 semaphore(%run_scoped3A : memref<!tpu.dma_semaphore, #tpu.memory_space<semaphore_mem>>) src(%arg6 : memref<16x128xf32, #tpu.memory_space<vmem>>) dst(%dma_wait3A_14 : memref<16x128xf32, #tpu.memory_space<hbm>>)
      tpu.yield
    }) : () -> ()
    return
  }
}

module attributes {stable_mosaic.version = 14 : i64} {
  func.func @_stats_body(%arg0: i32, %arg1: memref<20000x128xf32, #tpu.memory_space<vmem>>, %arg2: memref<2x128xf32, #tpu.memory_space<vmem>>) attributes {dimension_semantics = [#tpu.dimension_semantics<arbitrary>], iteration_bounds = array<i64: 5>, scalar_prefetch = 0 : i64, scratch_operands = 0 : i64, tpu.core_type = #tpu.core_type<tc>, window_params = [{transform_indices = @transform_0, window_bounds = array<i64: 20000, 128>}, {pipeline_mode = #tpu.pipeline_mode<synchronous>, transform_indices = @transform_1, window_bounds = array<i64: 2, 128>}]} {
    %eq3A = arith.constant 0 : i32
    %eq3A_0 = arith.cmpi eq, %arg0, %eq3A : i32
    %convert_element_type3A = arith.extui %eq3A_0 : i1 to i32
    %cond3A = arith.constant 0 : i32
    %cond3A_1 = arith.cmpi ne, %convert_element_type3A, %cond3A : i32
    scf.if %cond3A_1 {
      %broadcast_in_dim3A_20 = arith.constant 0.000000e+00 : f32
      %broadcast_in_dim3A_21 = vector.broadcast %broadcast_in_dim3A_20 : f32 to vector<2x128xf32>
      %swap3A_22 = arith.constant 0 : index
      %swap3A_23 = arith.constant 0 : index
      %swap3A_24 = vector.load %arg2[%swap3A_22, %swap3A_23] : memref<2x128xf32, #tpu.memory_space<vmem>>, vector<2x128xf32>
      tpu.vector_store %arg2[%swap3A_22, %swap3A_23], %broadcast_in_dim3A_21 {strides = array<i32>} : memref<2x128xf32, #tpu.memory_space<vmem>>, vector<2x128xf32>,
    } else {
    }
    %get3A = arith.constant 0 : index
    %get3A_2 = arith.constant 0 : index
    %get3A_3 = vector.load %arg1[%get3A, %get3A_2] : memref<20000x128xf32, #tpu.memory_space<vmem>>, vector<20000x128xf32>
    %get3A_4 = arith.constant 0 : index
    %get3A_5 = arith.constant 0 : index
    %get3A_6 = vector.load %arg2[%get3A_4, %get3A_5] : memref<2x128xf32, #tpu.memory_space<vmem>>, vector<1x128xf32>
    %reduce_sum3A = arith.constant dense<0.000000e+00> : vector<128xf32>
    %reduce_sum3A_7 = vector.multi_reduction <add>, %get3A_3, %reduce_sum3A [0] : vector<20000x128xf32> to vector<128xf32>
    %broadcast_in_dim3A = vector.shape_cast %reduce_sum3A_7 : vector<128xf32> to vector<1x128xf32>
    %add3A = arith.addf %get3A_6, %broadcast_in_dim3A : vector<1x128xf32>
    %swap3A = arith.constant 0 : index
    %swap3A_8 = arith.constant 0 : index
    %swap3A_9 = vector.load %arg2[%swap3A, %swap3A_8] : memref<2x128xf32, #tpu.memory_space<vmem>>, vector<1x128xf32>
    tpu.vector_store %arg2[%swap3A, %swap3A_8], %add3A {strides = array<i32>} : memref<2x128xf32, #tpu.memory_space<vmem>>, vector<1x128xf32>,
    %get3A_10 = arith.constant 1 : index
    %get3A_11 = arith.constant 0 : index
    %get3A_12 = vector.load %arg2[%get3A_10, %get3A_11] : memref<2x128xf32, #tpu.memory_space<vmem>>, vector<1x128xf32>
    %mul3A = arith.mulf %get3A_3, %get3A_3 : vector<20000x128xf32>
    %reduce_sum3A_13 = arith.constant dense<0.000000e+00> : vector<128xf32>
    %reduce_sum3A_14 = vector.multi_reduction <add>, %mul3A, %reduce_sum3A_13 [0] : vector<20000x128xf32> to vector<128xf32>
    %broadcast_in_dim3A_15 = vector.shape_cast %reduce_sum3A_14 : vector<128xf32> to vector<1x128xf32>
    %add3A_16 = arith.addf %get3A_12, %broadcast_in_dim3A_15 : vector<1x128xf32>
    %swap3A_17 = arith.constant 1 : index
    %swap3A_18 = arith.constant 0 : index
    %swap3A_19 = vector.load %arg2[%swap3A_17, %swap3A_18] : memref<2x128xf32, #tpu.memory_space<vmem>>, vector<1x128xf32>
    tpu.vector_store %arg2[%swap3A_17, %swap3A_18], %add3A_16 {strides = array<i32>} : memref<2x128xf32, #tpu.memory_space<vmem>>, vector<1x128xf32>,
    return
  }
  func.func @transform_0(%arg0: i32) -> (i32, i32) {
    %c0_i32 = arith.constant 0 : i32
    %c0_i32_0 = arith.constant 0 : i32
    return %arg0, %c0_i32 : i32, i32
  }
  func.func @transform_1(%arg0: i32) -> (i32, i32) {
    %c0_i32 = arith.constant 0 : i32
    %c0_i32_0 = arith.constant 0 : i32
    %c0_i32_1 = arith.constant 0 : i32
    return %c0_i32, %c0_i32_0 : i32, i32
  }
}

module attributes {stable_mosaic.version = 14 : i64} {
  func.func @_main_body(%arg0: i32, %arg1: memref<4000x128xf32, #tpu.memory_space<vmem>>, %arg2: memref<1x1x4000xi32, #tpu.memory_space<vmem>>, %arg3: memref<2x128xf32, #tpu.memory_space<vmem>>, %arg4: memref<1x128xf32, #tpu.memory_space<vmem>>, %arg5: memref<1x128xf32, #tpu.memory_space<vmem>>, %arg6: memref<128x128xf32, #tpu.memory_space<vmem>>, %arg7: memref<512x128xf32, #tpu.memory_space<vmem>>, %arg8: memref<128x128xf32, #tpu.memory_space<vmem>>, %arg9: memref<1x128xf32, #tpu.memory_space<vmem>>, %arg10: memref<1x128xf32, #tpu.memory_space<vmem>>, %arg11: memref<512x128xf32, #tpu.memory_space<vmem>>, %arg12: memref<512x1xf32, #tpu.memory_space<vmem>>, %arg13: memref<512x128xf32, #tpu.memory_space<vmem>>, %arg14: memref<512x128xf32, #tpu.memory_space<vmem>>) attributes {dimension_semantics = [#tpu.dimension_semantics<arbitrary>], iteration_bounds = array<i64: 25>, scalar_prefetch = 0 : i64, scratch_operands = 3 : i64, tpu.core_type = #tpu.core_type<tc>, window_params = [{transform_indices = @transform_0, window_bounds = array<i64: 4000, 128>}, {transform_indices = @transform_1, window_bounds = array<i64: 1, 1, 4000>}, {pipeline_mode = #tpu.pipeline_mode<synchronous>, transform_indices = @transform_2, window_bounds = array<i64: 2, 128>}, {pipeline_mode = #tpu.pipeline_mode<synchronous>, transform_indices = @transform_3, window_bounds = array<i64: 1, 128>}, {pipeline_mode = #tpu.pipeline_mode<synchronous>, transform_indices = @transform_4, window_bounds = array<i64: 1, 128>}, {pipeline_mode = #tpu.pipeline_mode<synchronous>, transform_indices = @transform_5, window_bounds = array<i64: 128, 128>}, {pipeline_mode = #tpu.pipeline_mode<synchronous>, transform_indices = @transform_6, window_bounds = array<i64: 512, 128>}, {pipeline_mode = #tpu.pipeline_mode<synchronous>, transform_indices = @transform_7, window_bounds = array<i64: 128, 128>}, {pipeline_mode = #tpu.pipeline_mode<synchronous>, transform_indices = @transform_8, window_bounds = array<i64: 1, 128>}, {pipeline_mode = #tpu.pipeline_mode<synchronous>, transform_indices = @transform_9, window_bounds = array<i64: 1, 128>}, {pipeline_mode = #tpu.pipeline_mode<synchronous>, transform_indices = @transform_10, window_bounds = array<i64: 512, 128>}]} {
    %get3A = arith.constant 0 : index
    %get3A_0 = arith.constant 0 : index
    %get3A_1 = vector.load %arg3[%get3A, %get3A_0] : memref<2x128xf32, #tpu.memory_space<vmem>>, vector<1x128xf32>
    %mul3A = arith.constant 9.99999974E-6 : f32
    %mul3A_2 = vector.broadcast %mul3A : f32 to vector<1x128xf32>
    %mul3A_3 = arith.mulf %get3A_1, %mul3A_2 : vector<1x128xf32>
    %get3A_4 = arith.constant 1 : index
    %get3A_5 = arith.constant 0 : index
    %get3A_6 = vector.load %arg3[%get3A_4, %get3A_5] : memref<2x128xf32, #tpu.memory_space<vmem>>, vector<1x128xf32>
    %mul3A_7 = arith.constant 9.99999974E-6 : f32
    %mul3A_8 = vector.broadcast %mul3A_7 : f32 to vector<1x128xf32>
    %mul3A_9 = arith.mulf %get3A_6, %mul3A_8 : vector<1x128xf32>
    %mul3A_10 = arith.mulf %mul3A_3, %mul3A_3 : vector<1x128xf32>
    %sub3A = arith.subf %mul3A_9, %mul3A_10 : vector<1x128xf32>
    %get3A_11 = arith.constant 0 : index
    %get3A_12 = arith.constant 0 : index
    %get3A_13 = vector.load %arg4[%get3A_11, %get3A_12] : memref<1x128xf32, #tpu.memory_space<vmem>>, vector<1x128xf32>
    %add3A = arith.constant 9.99999974E-6 : f32
    %add3A_14 = vector.broadcast %add3A : f32 to vector<1x128xf32>
    %add3A_15 = arith.addf %sub3A, %add3A_14 : vector<1x128xf32>
    %rsqrt3A = math.rsqrt %add3A_15 : vector<1x128xf32>
    %mul3A_16 = arith.mulf %get3A_13, %rsqrt3A : vector<1x128xf32>
    %get3A_17 = arith.constant 0 : index
    %get3A_18 = arith.constant 0 : index
    %get3A_19 = vector.load %arg5[%get3A_17, %get3A_18] : memref<1x128xf32, #tpu.memory_space<vmem>>, vector<1x128xf32>
    %mul3A_20 = arith.mulf %mul3A_3, %mul3A_16 : vector<1x128xf32>
    %sub3A_21 = arith.subf %get3A_19, %mul3A_20 : vector<1x128xf32>
    %eq3A = arith.constant 0 : i32
    %eq3A_22 = arith.cmpi eq, %arg0, %eq3A : i32
    %convert_element_type3A = arith.extui %eq3A_22 : i1 to i32
    %cond3A = arith.constant 0 : i32
    %cond3A_23 = arith.cmpi ne, %convert_element_type3A, %cond3A : i32
    scf.if %cond3A_23 {
      %broadcast_in_dim3A_106 = arith.constant 0.000000e+00 : f32
      %broadcast_in_dim3A_107 = vector.broadcast %broadcast_in_dim3A_106 : f32 to vector<512x1xf32>
      %swap3A_108 = arith.constant 0 : index
      %swap3A_109 = arith.constant 0 : index
      %swap3A_110 = vector.load %arg12[%swap3A_108, %swap3A_109] : memref<512x1xf32, #tpu.memory_space<vmem>>, vector<512x1xf32>
      tpu.vector_store %arg12[%swap3A_108, %swap3A_109], %broadcast_in_dim3A_107 {strides = array<i32>} : memref<512x1xf32, #tpu.memory_space<vmem>>, vector<512x1xf32>,
      %broadcast_in_dim3A_111 = arith.constant 0.000000e+00 : f32
      %broadcast_in_dim3A_112 = vector.broadcast %broadcast_in_dim3A_111 : f32 to vector<512x128xf32>
      %swap3A_113 = arith.constant 0 : index
      %swap3A_114 = arith.constant 0 : index
      %swap3A_115 = vector.load %arg13[%swap3A_113, %swap3A_114] : memref<512x128xf32, #tpu.memory_space<vmem>>, vector<512x128xf32>
      tpu.vector_store %arg13[%swap3A_113, %swap3A_114], %broadcast_in_dim3A_112 {strides = array<i32>} : memref<512x128xf32, #tpu.memory_space<vmem>>, vector<512x128xf32>,
      %get3A_116 = arith.constant 0 : index
      %get3A_117 = arith.constant 0 : index
      %get3A_118 = vector.load %arg7[%get3A_116, %get3A_117] : memref<512x128xf32, #tpu.memory_space<vmem>>, vector<512x128xf32>
      %mul3A_119 = vector.broadcast %mul3A_16 : vector<1x128xf32> to vector<512x128xf32>
      %mul3A_120 = arith.mulf %get3A_118, %mul3A_119 : vector<512x128xf32>
      %add3A_121 = vector.broadcast %sub3A_21 : vector<1x128xf32> to vector<512x128xf32>
      %add3A_122 = arith.addf %mul3A_120, %add3A_121 : vector<512x128xf32>
      %get3A_123 = arith.constant 0 : index
      %get3A_124 = arith.constant 0 : index
      %get3A_125 = vector.load %arg8[%get3A_123, %get3A_124] : memref<128x128xf32, #tpu.memory_space<vmem>>, vector<128x128xf32>
      %dot_general3A_126 = arith.constant dense<0.000000e+00> : vector<512x128xf32>
      %dot_general3A_127 = tpu.matmul %add3A_122, %get3A_125, %dot_general3A_126 {dimension_numbers = #tpu.dot_dimension_numbers<[1], [1], [0], [0], [0, 0, 1, 0], [], []>, transpose_lhs_hint = false} : vector<512x128xf32>, vector<128x128xf32>, vector<512x128xf32> -> vector<512x128xf32>
      %get3A_128 = arith.constant 0 : index
      %get3A_129 = arith.constant 0 : index
      %get3A_130 = vector.load %arg9[%get3A_128, %get3A_129] : memref<1x128xf32, #tpu.memory_space<vmem>>, vector<1x128xf32>
      %add3A_131 = vector.broadcast %get3A_130 : vector<1x128xf32> to vector<512x128xf32>
      %add3A_132 = arith.addf %dot_general3A_127, %add3A_131 : vector<512x128xf32>
      %swap3A_133 = arith.constant 0 : index
      %swap3A_134 = arith.constant 0 : index
      %swap3A_135 = vector.load %arg14[%swap3A_133, %swap3A_134] : memref<512x128xf32, #tpu.memory_space<vmem>>, vector<512x128xf32>
      tpu.vector_store %arg14[%swap3A_133, %swap3A_134], %add3A_132 {strides = array<i32>} : memref<512x128xf32, #tpu.memory_space<vmem>>, vector<512x128xf32>,
    } else {
    }
    %get3A_24 = arith.constant 0 : index
    %get3A_25 = arith.constant 0 : index
    %get3A_26 = vector.load %arg1[%get3A_24, %get3A_25] : memref<4000x128xf32, #tpu.memory_space<vmem>>, vector<4000x128xf32>
    %mul3A_27 = vector.broadcast %mul3A_16 : vector<1x128xf32> to vector<4000x128xf32>
    %mul3A_28 = arith.mulf %get3A_26, %mul3A_27 : vector<4000x128xf32>
    %add3A_29 = vector.broadcast %sub3A_21 : vector<1x128xf32> to vector<4000x128xf32>
    %add3A_30 = arith.addf %mul3A_28, %add3A_29 : vector<4000x128xf32>
    %get3A_31 = arith.constant 0 : index
    %get3A_32 = arith.constant 0 : index
    %get3A_33 = vector.load %arg6[%get3A_31, %get3A_32] : memref<128x128xf32, #tpu.memory_space<vmem>>, vector<128x128xf32>
    %dot_general3A = arith.constant dense<0.000000e+00> : vector<4000x128xf32>
    %dot_general3A_34 = tpu.matmul %add3A_30, %get3A_33, %dot_general3A {dimension_numbers = #tpu.dot_dimension_numbers<[1], [1], [0], [0], [0, 0, 1, 0], [], []>, transpose_lhs_hint = false} : vector<4000x128xf32>, vector<128x128xf32>, vector<4000x128xf32> -> vector<4000x128xf32>
    %get3A_35 = arith.constant 0 : index
    %get3A_36 = arith.constant 0 : index
    %get3A_37 = arith.constant 0 : index
    %get3A_38 = vector.load %arg2[%get3A_35, %get3A_36, %get3A_37] : memref<1x1x4000xi32, #tpu.memory_space<vmem>>, vector<1x1x4000xi32>
    %get3A_39 = vector.shape_cast %get3A_38 : vector<1x1x4000xi32> to vector<1x4000xi32>
    %iota3A = tpu.iota {dimensions = array<i32: 0>} : vector<512x4000xi32>
    %eq3A_40 = vector.broadcast %get3A_39 : vector<1x4000xi32> to vector<512x4000xi32>
    %eq3A_41 = arith.cmpi eq, %eq3A_40, %iota3A : vector<512x4000xi32>
    %convert_element_type3A_42 = arith.extui %eq3A_41 : vector<512x4000xi1> to vector<512x4000xi32>
    %convert_element_type3A_43 = arith.sitofp %convert_element_type3A_42 : vector<512x4000xi32> to vector<512x4000xf32>
    %get3A_44 = arith.constant 0 : index
    %get3A_45 = arith.constant 0 : index
    %get3A_46 = vector.load %arg14[%get3A_44, %get3A_45] : memref<512x128xf32, #tpu.memory_space<vmem>>, vector<512x128xf32>
    %dot_general3A_47 = arith.constant dense<0.000000e+00> : vector<4000x128xf32>
    %dot_general3A_48 = tpu.matmul %convert_element_type3A_43, %get3A_46, %dot_general3A_47 {dimension_numbers = #tpu.dot_dimension_numbers<[0], [0], [1], [1], [0, 1, 1, 1], [], []>, transpose_lhs_hint = false} : vector<512x4000xf32>, vector<512x128xf32>, vector<4000x128xf32> -> vector<4000x128xf32>
    %add3A_49 = arith.addf %dot_general3A_34, %dot_general3A_48 : vector<4000x128xf32>
    %mul3A_50 = arith.constant 5.000000e-01 : f32
    %mul3A_51 = vector.broadcast %mul3A_50 : f32 to vector<4000x128xf32>
    %mul3A_52 = arith.mulf %add3A_49, %mul3A_51 : vector<4000x128xf32>
    %tanh3A = math.tanh %mul3A_52 : vector<4000x128xf32>
    %get3A_53 = arith.constant 0 : index
    %get3A_54 = arith.constant 0 : index
    %get3A_55 = vector.load %arg10[%get3A_53, %get3A_54] : memref<1x128xf32, #tpu.memory_space<vmem>>, vector<1x128xf32>
    %mul3A_56 = arith.constant 5.000000e-01 : f32
    %mul3A_57 = vector.broadcast %mul3A_56 : f32 to vector<1x128xf32>
    %mul3A_58 = arith.mulf %get3A_55, %mul3A_57 : vector<1x128xf32>
    %dot_general3A_59 = arith.constant dense<0.000000e+00> : vector<1x4000xf32>
    %dot_general3A_60 = tpu.matmul %mul3A_58, %tanh3A, %dot_general3A_59 {dimension_numbers = #tpu.dot_dimension_numbers<[1], [1], [0], [0], [0, 0, 1, 0], [], []>, transpose_lhs_hint = false} : vector<1x128xf32>, vector<4000x128xf32>, vector<1x4000xf32> -> vector<1x4000xf32>
    %get3A_61 = arith.constant 0 : index
    %get3A_62 = arith.constant 0 : index
    %get3A_63 = vector.load %arg10[%get3A_61, %get3A_62] : memref<1x128xf32, #tpu.memory_space<vmem>>, vector<1x128xf32>
    %reduce_sum3A = vector.shape_cast %get3A_63 : vector<1x128xf32> to vector<1x1x128xf32>
    %reduce_sum3A_64 = arith.constant dense<0.000000e+00> : vector<1xf32>
    %reduce_sum3A_65 = vector.multi_reduction <add>, %reduce_sum3A, %reduce_sum3A_64 [1, 2] : vector<1x1x128xf32> to vector<1xf32>
    %reduce_sum3A_66 = vector.shape_cast %reduce_sum3A_65 : vector<1xf32> to vector<1x1x1xf32>
    %reduce_sum3A_67 = vector.extract %reduce_sum3A_66[0, 0, 0] : f32 from vector<1x1x1xf32>
    %mul3A_68 = arith.constant 5.000000e-01 : f32
    %mul3A_69 = arith.mulf %mul3A_68, %reduce_sum3A_67 : f32
    %add3A_70 = vector.broadcast %mul3A_69 : f32 to vector<1x4000xf32>
    %add3A_71 = arith.addf %dot_general3A_60, %add3A_70 : vector<1x4000xf32>
    %get3A_72 = arith.constant 0 : index
    %get3A_73 = arith.constant 0 : index
    %get3A_74 = vector.load %arg10[%get3A_72, %get3A_73] : memref<1x128xf32, #tpu.memory_space<vmem>>, vector<1x128xf32>
    %abs3A = math.absf %get3A_74 : vector<1x128xf32>
    %reduce_sum3A_75 = vector.shape_cast %abs3A : vector<1x128xf32> to vector<1x1x128xf32>
    %reduce_sum3A_76 = arith.constant dense<0.000000e+00> : vector<1xf32>
    %reduce_sum3A_77 = vector.multi_reduction <add>, %reduce_sum3A_75, %reduce_sum3A_76 [1, 2] : vector<1x1x128xf32> to vector<1xf32>
    %reduce_sum3A_78 = vector.shape_cast %reduce_sum3A_77 : vector<1xf32> to vector<1x1x1xf32>
    %reduce_sum3A_79 = vector.extract %reduce_sum3A_78[0, 0, 0] : f32 from vector<1x1x1xf32>
    %sub3A_80 = vector.broadcast %reduce_sum3A_79 : f32 to vector<1x4000xf32>
    %sub3A_81 = arith.subf %add3A_71, %sub3A_80 : vector<1x4000xf32>
    %exp3A = math.exp %sub3A_81 : vector<1x4000xf32>
    %mul3A_82 = vector.broadcast %exp3A : vector<1x4000xf32> to vector<512x4000xf32>
    %mul3A_83 = arith.mulf %convert_element_type3A_43, %mul3A_82 : vector<512x4000xf32>
    %get3A_84 = arith.constant 0 : index
    %get3A_85 = arith.constant 0 : index
    %get3A_86 = vector.load %arg12[%get3A_84, %get3A_85] : memref<512x1xf32, #tpu.memory_space<vmem>>, vector<512x1xf32>
    %reduce_sum3A_87 = arith.constant dense<0.000000e+00> : vector<512xf32>
    %reduce_sum3A_88 = vector.multi_reduction <add>, %mul3A_83, %reduce_sum3A_87 [1] : vector<512x4000xf32> to vector<512xf32>
    %broadcast_in_dim3A = vector.shape_cast %reduce_sum3A_88 : vector<512xf32> to vector<512x1xf32>
    %add3A_89 = arith.addf %get3A_86, %broadcast_in_dim3A : vector<512x1xf32>
    %swap3A = arith.constant 0 : index
    %swap3A_90 = arith.constant 0 : index
    %swap3A_91 = vector.load %arg12[%swap3A, %swap3A_90] : memref<512x1xf32, #tpu.memory_space<vmem>>, vector<512x1xf32>
    tpu.vector_store %arg12[%swap3A, %swap3A_90], %add3A_89 {strides = array<i32>} : memref<512x1xf32, #tpu.memory_space<vmem>>, vector<512x1xf32>,
    %get3A_92 = arith.constant 0 : index
    %get3A_93 = arith.constant 0 : index
    %get3A_94 = vector.load %arg13[%get3A_92, %get3A_93] : memref<512x128xf32, #tpu.memory_space<vmem>>, vector<512x128xf32>
    %dot_general3A_95 = arith.constant dense<0.000000e+00> : vector<512x128xf32>
    %dot_general3A_96 = tpu.matmul %mul3A_83, %add3A_30, %dot_general3A_95 {dimension_numbers = #tpu.dot_dimension_numbers<[1], [0], [0], [1], [0, 0, 1, 1], [], []>, transpose_lhs_hint = false} : vector<512x4000xf32>, vector<4000x128xf32>, vector<512x128xf32> -> vector<512x128xf32>
    %add3A_97 = arith.addf %get3A_94, %dot_general3A_96 : vector<512x128xf32>
    %swap3A_98 = arith.constant 0 : index
    %swap3A_99 = arith.constant 0 : index
    %swap3A_100 = vector.load %arg13[%swap3A_98, %swap3A_99] : memref<512x128xf32, #tpu.memory_space<vmem>>, vector<512x128xf32>
    tpu.vector_store %arg13[%swap3A_98, %swap3A_99], %add3A_97 {strides = array<i32>} : memref<512x128xf32, #tpu.memory_space<vmem>>, vector<512x128xf32>,
    %eq3A_101 = arith.constant 24 : i32
    %eq3A_102 = arith.cmpi eq, %arg0, %eq3A_101 : i32
    %convert_element_type3A_103 = arith.extui %eq3A_102 : i1 to i32
    %cond3A_104 = arith.constant 0 : i32
    %cond3A_105 = arith.cmpi ne, %convert_element_type3A_103, %cond3A_104 : i32
    scf.if %cond3A_105 {
      %get3A_106 = arith.constant 0 : index
      %get3A_107 = arith.constant 0 : index
      %get3A_108 = vector.load %arg12[%get3A_106, %get3A_107] : memref<512x1xf32, #tpu.memory_space<vmem>>, vector<512x1xf32>
      %gt3A = arith.constant 0.000000e+00 : f32
      %gt3A_109 = vector.broadcast %gt3A : f32 to vector<512x1xf32>
      %gt3A_110 = arith.cmpf ogt, %get3A_108, %gt3A_109 : vector<512x1xf32>
      %get3A_111 = arith.constant 0 : index
      %get3A_112 = arith.constant 0 : index
      %get3A_113 = vector.load %arg13[%get3A_111, %get3A_112] : memref<512x128xf32, #tpu.memory_space<vmem>>, vector<512x128xf32>
      %div3A = vector.broadcast %get3A_108 : vector<512x1xf32> to vector<512x128xf32>
      %div3A_114 = arith.divf %get3A_113, %div3A : vector<512x128xf32>
      %jit3A = arith.constant 0.000000e+00 : f32
      %broadcast_in_dim3A_115 = vector.shape_cast %gt3A_110 : vector<512x1xi1> to vector<512x1xi1>
      %broadcast_in_dim3A_116 = vector.broadcast %broadcast_in_dim3A_115 : vector<512x1xi1> to vector<512x128xi1>
      %broadcast_in_dim3A_117 = vector.broadcast %jit3A : f32 to vector<512x128xf32>
      %select_n3A = arith.select %broadcast_in_dim3A_116, %div3A_114, %broadcast_in_dim3A_117 : vector<512x128xi1>, vector<512x128xf32>
      %swap3A_118 = arith.constant 0 : index
      %swap3A_119 = arith.constant 0 : index
      %swap3A_120 = vector.load %arg11[%swap3A_118, %swap3A_119] : memref<512x128xf32, #tpu.memory_space<vmem>>, vector<512x128xf32>
      tpu.vector_store %arg11[%swap3A_118, %swap3A_119], %select_n3A {strides = array<i32>} : memref<512x128xf32, #tpu.memory_space<vmem>>, vector<512x128xf32>,
    } else {
    }
    return
  }
  func.func @transform_0(%arg0: i32) -> (i32, i32) {
    %c0_i32 = arith.constant 0 : i32
    %c0_i32_0 = arith.constant 0 : i32
    return %arg0, %c0_i32 : i32, i32
  }
  func.func @transform_1(%arg0: i32) -> (i32, i32, i32) {
    %c0_i32 = arith.constant 0 : i32
    %c0_i32_0 = arith.constant 0 : i32
    %c0_i32_1 = arith.constant 0 : i32
    return %arg0, %c0_i32, %c0_i32_0 : i32, i32, i32
  }
  func.func @transform_2(%arg0: i32) -> (i32, i32) {
    %c0_i32 = arith.constant 0 : i32
    %c0_i32_0 = arith.constant 0 : i32
    %c0_i32_1 = arith.constant 0 : i32
    return %c0_i32, %c0_i32_0 : i32, i32
  }
  func.func @transform_3(%arg0: i32) -> (i32, i32) {
    %c0_i32 = arith.constant 0 : i32
    %c0_i32_0 = arith.constant 0 : i32
    %c0_i32_1 = arith.constant 0 : i32
    return %c0_i32, %c0_i32_0 : i32, i32
  }
  func.func @transform_4(%arg0: i32) -> (i32, i32) {
    %c0_i32 = arith.constant 0 : i32
    %c0_i32_0 = arith.constant 0 : i32
    %c0_i32_1 = arith.constant 0 : i32
    return %c0_i32, %c0_i32_0 : i32, i32
  }
  func.func @transform_5(%arg0: i32) -> (i32, i32) {
    %c0_i32 = arith.constant 0 : i32
    %c0_i32_0 = arith.constant 0 : i32
    %c0_i32_1 = arith.constant 0 : i32
    return %c0_i32, %c0_i32_0 : i32, i32
  }
  func.func @transform_6(%arg0: i32) -> (i32, i32) {
    %c0_i32 = arith.constant 0 : i32
    %c0_i32_0 = arith.constant 0 : i32
    %c0_i32_1 = arith.constant 0 : i32
    return %c0_i32, %c0_i32_0 : i32, i32
  }
  func.func @transform_7(%arg0: i32) -> (i32, i32) {
    %c0_i32 = arith.constant 0 : i32
    %c0_i32_0 = arith.constant 0 : i32
    %c0_i32_1 = arith.constant 0 : i32
    return %c0_i32, %c0_i32_0 : i32, i32
  }
  func.func @transform_8(%arg0: i32) -> (i32, i32) {
    %c0_i32 = arith.constant 0 : i32
    %c0_i32_0 = arith.constant 0 : i32
    %c0_i32_1 = arith.constant 0 : i32
    return %c0_i32, %c0_i32_0 : i32, i32
  }
  func.func @transform_9(%arg0: i32) -> (i32, i32) {
    %c0_i32 = arith.constant 0 : i32
    %c0_i32_0 = arith.constant 0 : i32
    %c0_i32_1 = arith.constant 0 : i32
    return %c0_i32, %c0_i32_0 : i32, i32
  }
  func.func @transform_10(%arg0: i32) -> (i32, i32) {
    %c0_i32 = arith.constant 0 : i32
    %c0_i32_0 = arith.constant 0 : i32
    %c0_i32_1 = arith.constant 0 : i32
    return %c0_i32, %c0_i32_0 : i32, i32
  }
}

</mosaic_0001>

<sc_bundles>
// kernel: kernel.5.cloned.1.call-start
scs
__scs_entry_jumppad:
0x0: {  	(pc) =	sbr.rel $0x88, $3  }
0x1: {  	(tag) =	ssettag $0x0;
	lr =	simm.s32 $0x1  }
0x2: {  	[smem:$0x3F98] =	sst lr;
	_ =	strace $0xD0000000  }
0x3: {  	_ = 	snop  }
0x4: {  	_ = 	snop  }
0x5: {  	_ = 	snop  }
0x6: {  	_ = 	snop  }
0x7: {  	_ = 	snop  }
__scs_overlays_trampoline_lowered:
0x8: {  	[smem:$0x3FA7] =	sst s0  }
0x9: {  	[smem:$0x3FA8] =	sst s1  }
0xa: {  	[smem:$0x3FA9] =	sst s2  }
0xb: {  	[smem:$0x3FAA] =	sst s3  }
0xc: {  	[smem:$0x3FAB] =	sst s4  }
0xd: {  	[smem:$0x3FAC] =	sst s5  }
0xe: {  	[smem:$0x3FAD] =	sst s6  }
0xf: {  	[smem:$0x3FAE] =	sst s7  }
0x10: {  	[smem:$0x3FAF] =	sst s8  }
0x11: {  	[smem:$0x3FB0] =	sst s9;
	s0 =	simm.s32 @!p0 $0x0  }
0x12: {  	s1 =	sld [smem:$0x3F96];
	s0 =	simm.s32 @p0 $0x1  }
0x13: {  	[smem:$0x3FB1] =	sst s0;
	s0 =	simm.s32 @!p1 $0x0  }
0x14: {  	s2 =	sld [smem:$0x3F95];
	s0 =	simm.s32 @p1 $0x1  }
0x15: {  	[smem:$0x3FB2] =	sst s0;
	s0 =	simm.s32 @!p2 $0x0  }
0x16: {  	s3 =	sld [smem:$0x3FDB];
	s0 =	simm.s32 @p2 $0x1  }
0x17: {  	s4 =	simm.s32 $0x1BF5;
	[smem:$0x3FB4] =	sst s0  }
0x18: {  	s0 =	sld [smem:$0x3F97];
	_ =	swait.ge [sflag:s4], $0x0  }
0x19: {  	s7 =	sld [smem:$0x3F98]  }
0x1a: {  	s8 =	sadd.s32 $0xFFFFE003, lr  }
0x1b: {  	s9 =	sadd.s32 $0xFFFFFEF7, lr;
	s5 =	simm.s32 $0xFFFFFFFF;
	p2 =	slt.u32 s8, $0xFFFFF086  }
0x1c: {  	p1 =	slt.u32 s9, $0xF7A;
	s5 =	simm.s32 @!p2 $0x0  }
0x1d: {  	s5 =	simm.s32 @p1 $0x1;
	p0 =	seq.s32 s7, s2  }
0x1e: {  	s7 =	smul.u32 @!p0 $0xF7A, s2;
	p2 =	seq.s32 @!p0 s5, $0x0  }
0x1f: {  	s9 =	smul.u32 $0xF7A, s1;
	s8 =	simm.s32 @!p0 $0x1BF5;
	p2 =	por !p2, p0  }
0x20: {  	[sflag:s8] =	ssyncset.s32 @!p0 $0xFFFFF086;
	s6 =	sadd.s32 @!p0 s3, s7;
	s7 =	simm.s32 @!p0 $0x108  }
0x21: {  	s3 =	sadd.s32 s3, s9;
	s6 =	sadd.s32 @!p0 $0x88, s6;
	s7 =	simm.s32 @p2 $0x1082  }
0x22: {  	[simem:s7], [sflag:s8] =	dma.local @!p0 [hbm:s6], $0xF7A  }
0x23: {  	s9 =	sor.u32 $0xD0000000, s2;
	s6 =	simm.s32 $0x108;
	_ =	swait.ge @!p0 [sflag:s8], $0x0  }
0x24: {  	s3 =	sadd.s32 $0x88, s3;
	s6 =	simm.s32 @!p1 $0x1082;
	[sflag:s4] =	ssyncset.s32 $0xFFFFF086  }
0x25: {  	[simem:s6], [sflag:s4] =	dma.local [hbm:s3], $0xF7A  }
0x26: {  	[smem:$0x3F98] =	sst s1;
	(tag) =	ssettag s2;
	_ =	strace s9  }
0x27: {  	s1 =	sld [smem:$0x3FA8]  }
0x28: {  	s2 =	sld [smem:$0x3FA9]  }
0x29: {  	s4 =	sld [smem:$0x3FAB]  }
0x2a: {  	p0 =	seq.s32 s5, $0x0;
	s5 =	sld [smem:$0x3FAC]  }
0x2b: {  	s6 =	sld [smem:$0x3FAD]  }
0x2c: {  	s7 =	sld [smem:$0x3FAE]  }
0x2d: {  	s3 =	simm.s32 $0x108;
	s8 =	sld [smem:$0x3FAF]  }
0x2e: {  	s3 =	simm.s32 @!p0 $0x1082;
	s9 =	sld [smem:$0x3FB0]  }
0x2f: {  	lr =	sadd.s32 s0, s3;
	s0 =	sld [smem:$0x3FA7]  }
0x30: {  	s3 =	sld [smem:$0x3FAA]  }
0x31: {  	[smem:$0x3FB3] =	sst s10  }
0x32: {  	s10 =	sld [smem:$0x3FB1];
	_ =	sdelay $0x3  }
0x33: {  	p0 =	seq.s32 s10, $0x1;
	s10 =	sld [smem:$0x3FB3];
	_ =	sdelay $0x3  }
0x34: {  	[smem:$0x3FB3] =	sst s10  }
0x35: {  	s10 =	sld [smem:$0x3FB2];
	_ =	sdelay $0x3  }
0x36: {  	p1 =	seq.s32 s10, $0x1;
	s10 =	sld [smem:$0x3FB3];
	_ =	sdelay $0x3  }
0x37: {  	[smem:$0x3FB3] =	sst s10  }
0x38: {  	s10 =	sld [smem:$0x3FB4]  }
0x39: {  	_ = 	snop;
	(pc) =	sbr.ind lr, $3  }
0x3a: {  	_ = 	snop  }
0x3b: {  	_ = 	snop  }
0x3c: {  	p2 =	seq.s32 s10, $0x1;
	s10 =	sld [smem:$0x3FB3]  }
0x3d: {  	_ =	shalt  }
0x3e: {  	_ =	shalt  }
0x3f: {  	_ =	shalt  }
0x40: {  	_ =	shalt  }
0x41: {  	_ =	shalt  }
0x42: {  	_ =	shalt  }
0x43: {  	_ =	shalt  }
0x44: {  	_ =	shalt  }
0x45: {  	_ =	shalt  }
0x46: {  	_ =	shalt  }
0x47: {  	_ =	shalt  }
0x48: {  	_ =	shalt  }
0x49: {  	_ =	shalt  }
0x4a: {  	_ =	shalt  }
0x4b: {  	_ =	shalt  }
0x4c: {  	_ =	shalt  }
0x4d: {  	_ =	shalt  }
0x4e: {  	_ =	shalt  }
0x4f: {  	_ =	shalt  }
0x50: {  	_ =	shalt  }
0x51: {  	_ =	shalt  }
0x52: {  	_ =	shalt  }
0x53: {  	_ =	shalt  }
0x54: {  	_ =	shalt  }
0x55: {  	_ =	shalt  }
0x56: {  	_ =	shalt  }
0x57: {  	_ =	shalt  }
0x58: {  	_ =	shalt  }
0x59: {  	_ =	shalt  }
0x5a: {  	_ =	shalt  }
0x5b: {  	_ =	shalt  }
0x5c: {  	_ =	shalt  }
0x5d: {  	_ =	shalt  }
0x5e: {  	_ =	shalt  }
0x5f: {  	_ =	shalt  }
0x60: {  	_ =	shalt  }
0x61: {  	_ =	shalt  }
0x62: {  	_ =	shalt  }
0x63: {  	_ =	shalt  }
0x64: {  	_ =	shalt  }
0x65: {  	_ =	shalt  }
0x66: {  	_ =	shalt  }
0x67: {  	_ =	shalt  }
0x68: {  	_ =	shalt  }
0x69: {  	_ =	shalt  }
0x6a: {  	_ =	shalt  }
0x6b: {  	_ =	shalt  }
0x6c: {  	_ =	shalt  }
0x6d: {  	_ =	shalt  }
0x6e: {  	_ =	shalt  }
0x6f: {  	_ =	shalt  }
0x70: {  	_ =	shalt  }
0x71: {  	_ =	shalt  }
0x72: {  	_ =	shalt  }
0x73: {  	_ =	shalt  }
0x74: {  	_ =	shalt  }
0x75: {  	_ =	shalt  }
0x76: {  	_ =	shalt  }
0x77: {  	_ =	shalt  }
0x78: {  	_ =	shalt  }
0x79: {  	_ =	shalt  }
0x7a: {  	_ =	shalt  }
0x7b: {  	_ =	shalt  }
0x7c: {  	_ =	shalt  }
0x7d: {  	_ =	shalt  }
0x7e: {  	_ =	shalt  }
0x7f: {  	_ =	shalt  }
0x80: {  	_ =	shalt  }
0x81: {  	_ =	shalt  }
0x82: {  	_ =	shalt  }
0x83: {  	_ =	shalt  }
0x84: {  	_ =	shalt  }
0x85: {  	_ =	shalt  }
0x86: {  	_ =	shalt  }
0x87: {  	_ =	shalt  }
.Lfunc_end0:
.L_simem_size_0:
called_computation_lowered:
.L_overlay_start_0:
0x88: {  	s2 =	sld [smem:$0x3FD9]  }
0x89: {  	s3 =	sld [smem:$0x3FFE];
	_ =	sdelay $0x1  }
0x8a: {  	s1 =	srdreg.scid  }
0x8b: {  	s0 =	sand.u32 $0x1, s1  }
0x8c: {  	s18 =	sshll.u32 s0, $0xA;
	s2 =	sadd.s32 s3, s2  }
0x8d: {  	s2 =	sadd.s32 s2, s18  }
0x8e: {  	[smem:$0x3FBF] =	sst s2  }
0x8f: {  	_ = 	snop  }
0x90: {  	s2 =	sld [smem:$0x3FC9]  }
0x91: {  	s19 =	sld [smem:$0x3FC7]  }
0x92: {  	s4 =	sld [smem:$0x3FD0];
	(tm) =	ssettm $0x1  }
0x93: {  	s5 =	sld [smem:$0x3FFB];
	_ =	sdelay $0x3  }
0x94: {  	_ =	strace s5  }
0x95: {  	s5 =	sld [smem:$0x3FFC];
	_ =	sdelay $0x3  }
0x96: {  	_ =	strace s5  }
0x97: {  	s5 =	sld [smem:$0x3FFD];
	_ =	sdelay $0x3  }
0x98: {  	_ =	strace s5  }
0x99: {  	_ =	strace $0x8FFFFFFF  }
0x9a: {  	s20 =	sld [smem:$0x3FDB];
	_ =	sdelay $0x1  }
0x9b: {  	s6 =	simm.s32 $_scs_section_size  }
0x9c: {  	s7 =	simm.s32 $_size__tile_overlayer_lowered;
	s8 =	simm.s32 $_tile_overlayer_lowered  }
0x9d: {  	s23 =	simm.s32 $0x1BFF;
	s22 =	sshll.u32 s8, $0x1;
	s5 =	sadd.s32 s6, s20  }
0x9e: {  	s9 =	simm.s32 $0x0;
	s21 =	sshll.u32 s7, $0x1;
	s7 =	sadd.s32 s22, s5  }
0x9f: {  	[timem:s9], [sflag:s23] =	dma.local [hbm:s7], s21  }
0xa0: {  	_ =	swait.ge [sflag:s23], s21  }
0xa1: {  	s6 =	ssub.s32 $0x0, s21;
	[sflag:s23] =	ssyncset.done $0x0  }
0xa2: {  	[sflag:s23] =	ssyncadd.s32 s6;
	_ =	sdelay $0x1  }
0xa3: {  	s24 =	simm.s32 $0x1B8B  }
0xa4: {  	_ =	swait.ge [sflag:s24], $0x1  }
0xa5: {  	[sflag:s24] =	ssyncset.done $0x0  }
0xa6: {  	s25 =	simm.s32 $0x1B8E;
	[sflag:s24] =	ssyncadd.s32 $0xFFFFFFFF  }
0xa7: {  	s26 =	simm.s32 $execute0_lowered;
	[smem:$0x3FD2] =	sst s25  }
0xa8: {  	s6 =	sshll.u32 s26, $0x1;
	_ =	strace $0x80000046;
	[dreg:$0x1] =	wrdreg $0xFFFFFFFF  }
0xa9: {  	s28 =	simm.s32 $_size_execute0_lowered;
	s5 =	sadd.s32 s5, s6;
	[dreg:$0x0] =	wrdreg $0x0  }
0xaa: {  	s6 =	sshll.u32 s28, $0x1;
	[dreg:$0x2] =	wrdreg s5  }
0xab: {  	[dreg:$0x3] =	wrdreg s6  }
0xac: {  	[dreg:$0x4] =	wrdreg $0xC0  }
0xad: {  	_ =	task [dreg:s9], $0x5FFFF  }
0xae: {  	[dreg:$0x1] =	wrdreg $0xFFFFFFFF  }
0xaf: {  	[dreg:$0x0] =	wrdreg $0x60  }
0xb0: {  	[dreg:$0x2] =	wrdreg s2  }
0xb1: {  	[dreg:$0x3] =	wrdreg s19  }
0xb2: {  	[dreg:$0x4] =	wrdreg s4  }
0xb3: {  	[dreg:$0x5] =	wrdreg $0x9  }
0xb4: {  	_ =	task.clear_ibuf [dreg:s9], $0x6FFFF;
	_ =	strace $0x90000046  }
0xb5: {  	s29 =	simm.s32 $0x9;
	_ =	strace $0x80000048  }
0xb6: {  	_ =	swait.ge [sflag:s29], $0x1  }
0xb7: {  	[sflag:s29] =	ssyncadd.s32 $0xFFFFFFFF  }
0xb8: {  	_ =	strace $0x90000048  }
0xb9: {  	_ =	sfence  }
0xba: {  	s30 =	sld [smem:$0x0];
	_ =	sdelay $0x2  }
0xbb: {  	s31 =	sshll.u32 s1, $0xD;
	s1 =	sshrl.u32 s1, $0x2  }
0xbc: {  	s3 =	sand.u32 $0x4000, s31;
	s1 =	sadd.s32 s1, s30  }
0xbd: {  	s0 =	sor.u32 s3, s0;
	s1 =	sshll.u32 s1, $0x11  }
0xbe: {  	s0 =	sor.u32 s1, s0  }
0xbf: {  	s0 =	sadd.s32 $0x8F2B, s0  }
0xc0: {  	[sflag:s0] =	ssyncadd.remote.s32 $0x1  }
0xc1: {  	_ =	sfence.sel $0xFFFF  }
0xc2: {  	[dreg:$0x0] =	wrdreg $0xFFFFFFFF;
	(pc) =	sbr.abs _section_cstart, $3  }
0xc3: {  	[dreg:$0x1] =	wrdreg $0xFFFFFFFF  }
0xc4: {  	_ =	task.clear_ibuf [dreg:s9], $0x2FFFF;
	_ =	strace $0x9FFFFFFF  }
0xc5: {  	(tm) =	ssettm $0x7FFFFFFF  }
tec
execute0_lowered:
.L_overlay_start_1:
0x0: {  	(tag) =	ssettag $0x1  }
0x1: {  	s1 =	rddreg [dreg:$0x0]  }
0x2: {  	s2 =	srdreg.scid;
	s4 =	rddreg [dreg:$0x1]  }
0x3: {  	s0 =	stileid.u32;
	s9 =	rddreg [dreg:$0x2];
	s6 =	sand.u32 $0x1, s2  }
0x4: {  	s3 =	simm.s32 $0x0;
	s5 =	sshll.u32 s0, $0x5;
	s7 =	sshll.u32 s6, $0x4  }
0x5: {  	[smem:$0x7FF] =	sst s3;
	s10 =	sor.u32 s7, s5  }
0x6: {  	s2 =	rddreg [dreg:$0x3];
	_ =	strace $0x80000047;
	s5 =	sshrl.u32 s10, $0x3  }
0x7: {  	s11 =	ssub.s32 $0x2, s6;
	s5 =	sadd.s32 s4, s5;
	s4 =	simm.s32 $0x2  }
0x8: {  	[tilespmem:s3], [sflag:$0x2] =	stream.linear.gather [hbm4b:s5+s3], $0x10, $0x38;
	[tilespmem:$0x880] =	vst v63  }
0x9: {  	s8 =	simm.s32 $0x1;
	s12 =	sshrl.u32 s11, $0x1;
	_ =	swait.ge [sflag:s4], $0x10  }
0xa: {  	s6 =	simm.s32 $0x10;
	s11 =	ssub.s32 s11, s12;
	[sflag:s4] =	ssyncset.done $0x0  }
0xb: {  	s7 =	simm.s32 $0x80;
	s31 =	smax.u32 s11, $0x1;
	[sflag:s4] =	ssyncadd.s32 $0xFFFFFFF0  }
0xc: {  	[tilespmem:s7], [sflag:$0x1] =	stream.indirect.gather [hbm4b:s1+s6], $0x80, s3, s6, $0xb8;
	[tilespmem:$0x880] =	vst v63  }
0xd: {  	p0 =	sne.s32 s31, $0x1;
	_ =	swait.ge [sflag:s8], $0x800  }
.Ltmp0:
0xe: {  	s10 =	sshll.u32 s10, $0x4;
	[sflag:s8] =	ssyncset.done $0x0;
	(pc) =	sbr.rel @!p0 .LBB2_2-.Ltmp0, $4  }
0xf: {  	s9 =	sadd.s32 s9, s10;
	[sflag:s8] =	ssyncadd.s32 $0xFFFFF800  }
0x10: {  	[hbm4b:s9+s3] =	stream.linear.scatter [tilespmem:s7], [sflag:$0x2], $0x800, $0x38;
	[tilespmem:$0x880] =	vst v63  }
0x11: {  	_ =	swait.ge [sflag:s4], $0x800  }
0x12: {  	s10 =	sadd.s32 $0xFFFFFFFF, s31;
	[sflag:s4] =	ssyncset.done $0x0  }
.LBB2_1:
0x13: {  	p0 =	sne.s32 s10, $0x1;
	s10 =	sadd.s32 $0xFFFFFFFF, s10;
	[sflag:s4] =	ssyncadd.s32 $0xFFFFF800  }
0x14: {  	[tilespmem:s3], [sflag:$0x2] =	stream.linear.gather [hbm4b:s5+s3], $0x10, $0x38;
	[tilespmem:$0x880] =	vst v63  }
0x15: {  	_ =	swait.ge [sflag:s4], $0x10  }
0x16: {  	[sflag:s4] =	ssyncset.done $0x0  }
0x17: {  	[sflag:s4] =	ssyncadd.s32 $0xFFFFFFF0  }
0x18: {  	[tilespmem:s7], [sflag:$0x1] =	stream.indirect.gather [hbm4b:s1+s6], $0x80, s3, s6, $0xb8;
	[tilespmem:$0x880] =	vst v63  }
0x19: {  	_ =	swait.ge [sflag:s8], $0x800  }
.Ltmp1:
0x1a: {  	[sflag:s8] =	ssyncset.done $0x0;
	(pc) =	sbr.rel @p0 .LBB2_1-.Ltmp1, $4  }
0x1b: {  	[sflag:s8] =	ssyncadd.s32 $0xFFFFF800  }
0x1c: {  	[hbm4b:s9+s3] =	stream.linear.scatter [tilespmem:s7], [sflag:$0x2], $0x800, $0x38;
	[tilespmem:$0x880] =	vst v63  }
0x1d: {  	_ =	swait.ge [sflag:s4], $0x800  }
0x1e: {  	[sflag:s4] =	ssyncset.done $0x0  }
.LBB2_2:
0x1f: {  	[sflag:s4] =	ssyncadd.s32 $0xFFFFF800  }
0x20: {  	_ =	sfence.sel $0x180000  }
0x21: {  	[bflag:$0x0] =	sbarrier.arrive $0xFFFF  }
0x22: {  	p0 =	sne.s32 s0, $0x0;
	_ =	strace $0x90000047  }
0x23: {  	s0 =	sadd.s32 @!p0 $0x100000, s2;
	[bflag:$0x2] =	sbarrier.arrive $0xFFFF  }
0x24: {  	[sflag:s0] =	ssyncadd.tile.s32 @!p0 $0x1;
	_ =	shalt  }
.Lfunc_end2:
_tile_overlayer_lowered:
.L_overlay_start_2:
0x25: {  	(tag) =	ssettag $0x2  }
0x26: {  	s0 =	rddreg [dreg:$0x0];
	s2 =	stileid.u32  }
0x27: {  	s1 =	rddreg [dreg:$0x1];
	p0 =	sne.s32 s2, $0x0  }
0x28: {  	s3 =	rddreg [dreg:$0x2];
	[bflag:$0x3] =	sbarrier.arrive $0xFFFF;
	s2 =	simm.s32 @!p0 $0x1C02  }
0x29: {  	[timem:s3], [sflag:s2] =	dma.local @!p0 [hbm:s0], s1  }
0x2a: {  	s0 =	simm.s32 @!p0 $0x2  }
0x2b: {  	_ =	swait.ge @!p0 [sflag:s0], s1  }
0x2c: {  	s1 =	ssub.s32 @!p0 $0x0, s1;
	[sflag:s0] =	ssyncset.done @!p0 $0x0  }
0x2d: {  	[sflag:s0] =	ssyncadd.s32 @!p0 s1  }
0x2e: {  	[bflag:$0x3] =	sbarrier.arrive $0xFFFF  }
0x2f: {  	_ =	shalt  }

</sc_bundles>
